<compile_context>
chip_gen: v7x
topology: tpu7x:2x2x1
jax: 0.10.2.dev20260603
libtpu: 0.0.44.dev20260713+nightly
codegen_flags: <defaults>
</compile_context>

<pallas_src>
import functools

import jax
import jax.numpy as jnp
from jax import lax
from jax.experimental import pallas as pl
from jax.experimental.pallas import tpu as pltpu
from jax.experimental.pallas import tpu_sc as plsc

B = 16
C = 32
P = 1024
K = 1024
N = B * P
NW = 32
CHUNK = N // NW
LOG2E = 1.4426950408889634
LN2 = 0.6931471805599453


def _vq_main_body(pq_ref, z_ref, cb2_ref, lhs_ref,
                  zqt_ref, idx_ref, plogp_ref, negm_ref):
    b = pl.program_id(0)
    w = 0.5 / jnp.maximum(pq_ref[0, 0], 1e-10)
    z = z_ref[0]
    cb2 = cb2_ref[...]
    lhs = lhs_ref[...]

    zsq = jnp.sum(z * z, axis=0, keepdims=True)
    csq = 0.25 * jnp.sum(cb2 * cb2, axis=1, keepdims=True)
    g2 = jnp.dot(cb2, z, preferred_element_type=jnp.float32)
    dist = (zsq + csq) - g2
    lam = w * dist

    m2 = jnp.min(lam, axis=0, keepdims=True)
    e = jnp.where(lam == m2, 1.0, 0.0).astype(jnp.bfloat16)
    r = jnp.dot(lhs, e, preferred_element_type=jnp.float32)
    idxf = r[0] * 32.0 + r[1]
    idx_ref[0] = jnp.clip(idxf.astype(jnp.int32), 0, K - 1)[None, :]
    zqt_ref[0] = r[8:8 + C]

    u2 = (m2 - lam).astype(jnp.bfloat16) * jnp.bfloat16(LOG2E)
    eu = jnp.exp2(u2)
    ones_row = jnp.ones((1, K), jnp.bfloat16)
    s = jnp.dot(ones_row, eu,
                preferred_element_type=jnp.float32)
    t2 = jnp.dot(ones_row, u2 * eu,
                 preferred_element_type=jnp.float32)
    plogp = (t2 * LN2) / s - jnp.log(s)

    @pl.when(b == 0)
    def _():
        plogp_ref[...] = jnp.zeros_like(plogp_ref)
        negm_ref[...] = jnp.zeros_like(negm_ref)

    plogp_ref[...] += plogp
    negm_ref[...] += m2


def _vq_main(pq, z, cb2, lhs):
    return pl.pallas_call(
        _vq_main_body,
        grid=(B,),
        in_specs=[
            pl.BlockSpec(memory_space=pltpu.SMEM),
            pl.BlockSpec((1, C, P), lambda b: (b, 0, 0)),
            pl.BlockSpec((K, C), lambda b: (0, 0)),
            pl.BlockSpec((40, K), lambda b: (0, 0)),
        ],
        out_specs=[
            pl.BlockSpec((1, C, P), lambda b: (b, 0, 0)),
            pl.BlockSpec((1, 1, P), lambda b: (b, 0, 0)),
            pl.BlockSpec((1, P), lambda b: (0, 0)),
            pl.BlockSpec((1, P), lambda b: (0, 0)),
        ],
        out_shape=[
            jax.ShapeDtypeStruct((B, C, P), jnp.float32),
            jax.ShapeDtypeStruct((B, 1, P), jnp.int32),
            jax.ShapeDtypeStruct((1, P), jnp.float32),
            jax.ShapeDtypeStruct((1, P), jnp.float32),
        ],
    )(pq, z, cb2, lhs)


def _sc_hist_body(idx_hbm, out_hbm, idx_v, hist_v):
    cc = lax.axis_index("c")
    ss = lax.axis_index("s")
    wid = ss * 2 + cc
    pltpu.sync_copy(idx_hbm.at[wid], idx_v)

    zeros16 = jnp.zeros((16,), jnp.float32)

    def zero_body(i, carry):
        hist_v[pl.ds(i * 16, 16)] = zeros16
        return carry

    lax.fori_loop(0, (16 * K) // 16, zero_body, 0)

    lane_off = lax.iota(jnp.int32, 16) * K
    ones = jnp.ones((16,), jnp.float32)

    def body(i, carry):
        v = idx_v[pl.ds(i * 16, 16)]
        plsc.addupdate_scatter(hist_v, [lane_off + v], ones)
        return carry

    lax.fori_loop(0, CHUNK // 16, body, 0)

    def red_body(i, carry):
        acc = hist_v[pl.ds(i * 16, 16)]
        for l in range(1, 16):
            acc = acc + hist_v[pl.ds(l * K + i * 16, 16)]
        hist_v[pl.ds(i * 16, 16)] = acc
        return carry

    lax.fori_loop(0, K // 16, red_body, 0)
    pltpu.sync_copy(hist_v.at[pl.ds(0, K)], out_hbm.at[wid])


@functools.cache
def _sc_hist_kernel():
    return pl.kernel(
        _sc_hist_body,
        out_type=jax.ShapeDtypeStruct((NW, K), jnp.float32),
        mesh=plsc.VectorSubcoreMesh(
            core_axis_name="c", subcore_axis_name="s", num_cores=2),
        scratch_types=[
            pltpu.VMEM((CHUNK,), jnp.int32),
            pltpu.VMEM((16 * K,), jnp.float32),
        ],
        compiler_params=pltpu.CompilerParams(needs_layout_passes=False),
    )


def _finish_body(sub_ref, plogp_ref, negm_ref, loss_ref, perp_ref):
    counts = jnp.sum(sub_ref[...], axis=0, keepdims=True)
    avg = counts * (1.0 / N)
    ent = jnp.sum(avg * jnp.log(avg + 1e-7))
    perp_ref[...] = jnp.zeros_like(perp_ref) + jnp.exp(-ent)
    tot = jnp.sum(plogp_ref[...]) + jnp.sum(negm_ref[...])
    loss_ref[...] = jnp.zeros_like(loss_ref) + tot * (1.0 / B)


def _finish(sub, plogp, negm):
    return pl.pallas_call(
        _finish_body,
        out_shape=[
            jax.ShapeDtypeStruct((1, 128), jnp.float32),
            jax.ShapeDtypeStruct((1, 128), jnp.float32),
        ],
    )(sub, plogp, negm)


def kernel(z_from_encoder, param_q, codebook, flg_train, flg_quant_det):
    z = z_from_encoder.reshape(B, C, P)
    pq = param_q.reshape(1, 1)
    kr = jnp.arange(K, dtype=jnp.int32)
    lhs = jnp.concatenate(
        [(kr // 32).astype(jnp.bfloat16)[None, :],
         (kr % 32).astype(jnp.bfloat16)[None, :],
         jnp.zeros((6, K), jnp.bfloat16),
         codebook.T.astype(jnp.bfloat16)], axis=0)
    zqt, idx, plogp, negm = _vq_main(pq, z, codebook * 2.0, lhs)
    sub = _sc_hist_kernel()(idx.reshape(NW, CHUNK))
    loss, perp = _finish(sub, plogp, negm)
    return (zqt.reshape(B, C, 32, 32),
            loss[0, 0].reshape(()),
            perp[0, 0].reshape(()))

# --- scband reference (transcript-rebuilt; emitter-appended) ---
"""Pipeline reference for scband-gaussian-vector-quantizer-5669356831648 (READ-ONLY COPY).

The authoritative reference and input builder live on the scoring server;
editing this copy changes nothing except your own understanding.
"""

import jax, jax.numpy as jnp
import numpy as np


def setup_inputs(seed: int = 0) -> dict:
    key = jax.random.key(seed)
    k1, k2, k3 = jax.random.split(key, 3)
    return {
        "z_from_encoder": jax.random.normal(k1, (16, 32, 32, 32), dtype=jnp.float32),
        "param_q": jax.random.uniform(k2, (1,), dtype=jnp.float32),
        "codebook": jax.random.normal(k3, (1024, 32), dtype=jnp.float32),
        "flg_train": 0,
        "flg_quant_det": 1,
    }


def reference(z_from_encoder, param_q, codebook, flg_train, flg_quant_det):
    # param_var_q == 'gaussian_1'; flg_train=False, flg_quant_det=True -> deterministic argmax path
    bs, dim_z, width, height = z_from_encoder.shape
    zp = jnp.transpose(z_from_encoder, (0, 2, 3, 1))
    precision_q = 1.0 / jnp.clip(param_q, 1e-10, None)
    weight = 0.5 * precision_q
    z_flat = zp.reshape(-1, dim_z)
    distances = (jnp.sum(z_flat ** 2, axis=1, keepdims=True)
                 + jnp.sum(codebook ** 2, axis=1)
                 - 2.0 * (z_flat @ codebook.T))
    logit = -(weight * distances)
    probabilities = jax.nn.softmax(logit, axis=-1)
    log_probabilities = jax.nn.log_softmax(logit, axis=-1)
    K = codebook.shape[0]
    indices = jnp.argmax(logit, axis=1)
    encodings_hard = jax.nn.one_hot(indices, K, dtype=codebook.dtype)
    avg_probs = jnp.mean(encodings_hard, axis=0)
    z_quantized = (encodings_hard @ codebook).reshape(bs, width, height, dim_z)
    z_to_decoder = jnp.transpose(z_quantized, (0, 3, 1, 2))
    kld_discrete = jnp.sum(probabilities * log_probabilities) / bs
    kld_continuous = jnp.mean(jnp.sum((z_from_encoder - z_to_decoder) ** 2 * weight, axis=(1, 2, 3)))
    loss = kld_discrete + kld_continuous
    perplexity = jnp.exp(-jnp.sum(avg_probs * jnp.log(avg_probs + 1e-7)))
    return (z_to_decoder, loss, perplexity)

if __name__ == "__main__":
    import jax
    _d = setup_inputs()
    print(jax.jit(kernel)(*tuple(_d.values())))

</pallas_src>

<mosaic_0001>
#map = affine_map<(d0, d1) -> (0, 0)>
module attributes {stable_mosaic.version = 14 : i64} {
  func.func @_sc_hist_body(%arg0: i32, %arg1: i32, %arg2: memref<32x512xi32, #tpu.memory_space<hbm>>, %arg3: memref<32x1024xf32, #tpu.memory_space<hbm>>, %arg4: memref<512xi32, #tpu.memory_space<vmem>>, %arg5: memref<16384xf32, #tpu.memory_space<vmem>>) attributes {dimension_semantics = [#tpu.dimension_semantics<core_parallel>, #tpu.dimension_semantics<subcore_parallel>], iteration_bounds = array<i64: 2, 16>, scalar_prefetch = 0 : i64, scratch_operands = 2 : i64, tpu.core_type = #tpu.core_type<sc_vector_subcore>, window_params = [{transform_indices = #map}, {transform_indices = #map}]} {
    %mul3A = arith.constant 2 : i32
    %mul3A_0 = arith.muli %arg1, %mul3A : i32
    %add3A = arith.addi %mul3A_0, %arg0 : i32
    "tpu.region"() ({
      %run_scoped3A = tpu.sem_alloc : memref<!tpu.dma_semaphore, #tpu.memory_space<semaphore_mem>>
      %dma_start3A = arith.constant 0 : i32
      %dma_start3A_24 = tpu.memref_slice %arg2[%add3A, %dma_start3A] : memref<32x512xi32, #tpu.memory_space<hbm>> -> memref<1x512xi32, #tpu.memory_space<hbm>>
      %dma_start3A_25 = tpu.memref_squeeze %dma_start3A_24 : memref<1x512xi32, #tpu.memory_space<hbm>> -> memref<512xi32, #tpu.memory_space<hbm>>
      %dma_start3A_26 = arith.constant 0 : i32
      %dma_start3A_27 = tpu.memref_slice %arg2[%add3A, %dma_start3A_26] : memref<32x512xi32, #tpu.memory_space<hbm>> -> memref<1x512xi32, #tpu.memory_space<hbm>>
      %dma_start3A_28 = tpu.memref_squeeze %dma_start3A_27 : memref<1x512xi32, #tpu.memory_space<hbm>> -> memref<512xi32, #tpu.memory_space<hbm>>
      tpu.enqueue_dma source(%dma_start3A_28 : memref<512xi32, #tpu.memory_space<hbm>>) target(%arg4 : memref<512xi32, #tpu.memory_space<vmem>>) target_semaphore(%run_scoped3A : memref<!tpu.dma_semaphore, #tpu.memory_space<semaphore_mem>>)
      %dma_wait3A = arith.constant 0 : i32
      %dma_wait3A_29 = tpu.memref_slice %arg2[%add3A, %dma_wait3A] : memref<32x512xi32, #tpu.memory_space<hbm>> -> memref<1x512xi32, #tpu.memory_space<hbm>>
      %dma_wait3A_30 = tpu.memref_squeeze %dma_wait3A_29 : memref<1x512xi32, #tpu.memory_space<hbm>> -> memref<512xi32, #tpu.memory_space<hbm>>
      %dma_wait3A_31 = arith.constant 0 : i32
      %dma_wait3A_32 = tpu.memref_slice %arg2[%add3A, %dma_wait3A_31] : memref<32x512xi32, #tpu.memory_space<hbm>> -> memref<1x512xi32, #tpu.memory_space<hbm>>
      %dma_wait3A_33 = tpu.memref_squeeze %dma_wait3A_32 : memref<1x512xi32, #tpu.memory_space<hbm>> -> memref<512xi32, #tpu.memory_space<hbm>>
      tpu.wait_dma2 semaphore(%run_scoped3A : memref<!tpu.dma_semaphore, #tpu.memory_space<semaphore_mem>>) src(%dma_wait3A_33 : memref<512xi32, #tpu.memory_space<hbm>>) dst(%arg4 : memref<512xi32, #tpu.memory_space<vmem>>)
      tpu.yield
    }) : () -> ()
    %broadcast_in_dim3A = arith.constant 0.000000e+00 : f32
    %broadcast_in_dim3A_1 = vector.broadcast %broadcast_in_dim3A : f32 to vector<16xf32>
    %scan3A = arith.constant 0 : i32
    %scan3A_2 = arith.constant 0 : i32
    %scan3A_3 = arith.constant 1024 : i32
    %scan3A_4 = arith.addi %scan3A_2, %scan3A_3 : i32
    %scan3A_5 = arith.constant 1 : i32
    scf.for %scan3A_24 = %scan3A_2 to %scan3A_4 step %scan3A_5  : i32 {
      %mul3A_25 = arith.constant 16 : i32
      %mul3A_26 = arith.muli %scan3A_24, %mul3A_25 : i32
      %swap3A = arith.index_cast %mul3A_26 : i32 to index
      %swap3A_27 = tpu.vector_load %arg5[%swap3A] {strides = array<i32>} : memref<16384xf32, #tpu.memory_space<vmem>>, vector<16xf32>,
      tpu.vector_store %arg5[%swap3A], %broadcast_in_dim3A_1 {strides = array<i32>} : memref<16384xf32, #tpu.memory_space<vmem>>, vector<16xf32>,
    }
    %scan3A_6 = arith.constant 1024 : i32
    %iota3A = tpu.iota {dimensions = array<i32: 0>} : vector<16xi32>
    %mul3A_7 = arith.constant 1024 : i32
    %mul3A_8 = vector.broadcast %mul3A_7 : i32 to vector<16xi32>
    %mul3A_9 = arith.muli %iota3A, %mul3A_8 : vector<16xi32>
    %broadcast_in_dim3A_10 = arith.constant 1.000000e+00 : f32
    %broadcast_in_dim3A_11 = vector.broadcast %broadcast_in_dim3A_10 : f32 to vector<16xf32>
    %scan3A_12 = arith.constant 0 : i32
    %scan3A_13 = arith.constant 0 : i32
    %scan3A_14 = arith.constant 32 : i32
    %scan3A_15 = arith.addi %scan3A_13, %scan3A_14 : i32
    %scan3A_16 = arith.constant 1 : i32
    scf.for %scan3A_24 = %scan3A_13 to %scan3A_15 step %scan3A_16  : i32 {
      %mul3A_25 = arith.constant 16 : i32
      %mul3A_26 = arith.muli %scan3A_24, %mul3A_25 : i32
      %get3A = arith.index_cast %mul3A_26 : i32 to index
      %get3A_27 = tpu.vector_load %arg4[%get3A] {strides = array<i32>} : memref<512xi32, #tpu.memory_space<vmem>>, vector<16xi32>,
      %add3A_28 = arith.addi %mul3A_9, %get3A_27 : vector<16xi32>
      tpu.vector_store_idx %arg5[%add3A_28], %broadcast_in_dim3A_11 {add = true} : memref<16384xf32, #tpu.memory_space<vmem>>[vector<16xi32>], vector<16xf32>,
    }
    %scan3A_17 = arith.constant 32 : i32
    %scan3A_18 = arith.constant 0 : i32
    %scan3A_19 = arith.constant 0 : i32
    %scan3A_20 = arith.constant 64 : i32
    %scan3A_21 = arith.addi %scan3A_19, %scan3A_20 : i32
    %scan3A_22 = arith.constant 1 : i32
    scf.for %scan3A_24 = %scan3A_19 to %scan3A_21 step %scan3A_22  : i32 {
      %mul3A_25 = arith.constant 16 : i32
      %mul3A_26 = arith.muli %scan3A_24, %mul3A_25 : i32
      %get3A = arith.index_cast %mul3A_26 : i32 to index
      %get3A_27 = tpu.vector_load %arg5[%get3A] {strides = array<i32>} : memref<16384xf32, #tpu.memory_space<vmem>>, vector<16xf32>,
      %mul3A_28 = arith.constant 16 : i32
      %mul3A_29 = arith.muli %scan3A_24, %mul3A_28 : i32
      %add3A_30 = arith.constant 1024 : i32
      %add3A_31 = arith.addi %add3A_30, %mul3A_29 : i32
      %get3A_32 = arith.index_cast %add3A_31 : i32 to index
      %get3A_33 = tpu.vector_load %arg5[%get3A_32] {strides = array<i32>} : memref<16384xf32, #tpu.memory_space<vmem>>, vector<16xf32>,
      %add3A_34 = arith.addf %get3A_27, %get3A_33 : vector<16xf32>
      %mul3A_35 = arith.constant 16 : i32
      %mul3A_36 = arith.muli %scan3A_24, %mul3A_35 : i32
      %add3A_37 = arith.constant 2048 : i32
      %add3A_38 = arith.addi %add3A_37, %mul3A_36 : i32
      %get3A_39 = arith.index_cast %add3A_38 : i32 to index
      %get3A_40 = tpu.vector_load %arg5[%get3A_39] {strides = array<i32>} : memref<16384xf32, #tpu.memory_space<vmem>>, vector<16xf32>,
      %add3A_41 = arith.addf %add3A_34, %get3A_40 : vector<16xf32>
      %mul3A_42 = arith.constant 16 : i32
      %mul3A_43 = arith.muli %scan3A_24, %mul3A_42 : i32
      %add3A_44 = arith.constant 3072 : i32
      %add3A_45 = arith.addi %add3A_44, %mul3A_43 : i32
      %get3A_46 = arith.index_cast %add3A_45 : i32 to index
      %get3A_47 = tpu.vector_load %arg5[%get3A_46] {strides = array<i32>} : memref<16384xf32, #tpu.memory_space<vmem>>, vector<16xf32>,
      %add3A_48 = arith.addf %add3A_41, %get3A_47 : vector<16xf32>
      %mul3A_49 = arith.constant 16 : i32
      %mul3A_50 = arith.muli %scan3A_24, %mul3A_49 : i32
      %add3A_51 = arith.constant 4096 : i32
      %add3A_52 = arith.addi %add3A_51, %mul3A_50 : i32
      %get3A_53 = arith.index_cast %add3A_52 : i32 to index
      %get3A_54 = tpu.vector_load %arg5[%get3A_53] {strides = array<i32>} : memref<16384xf32, #tpu.memory_space<vmem>>, vector<16xf32>,
      %add3A_55 = arith.addf %add3A_48, %get3A_54 : vector<16xf32>
      %mul3A_56 = arith.constant 16 : i32
      %mul3A_57 = arith.muli %scan3A_24, %mul3A_56 : i32
      %add3A_58 = arith.constant 5120 : i32
      %add3A_59 = arith.addi %add3A_58, %mul3A_57 : i32
      %get3A_60 = arith.index_cast %add3A_59 : i32 to index
      %get3A_61 = tpu.vector_load %arg5[%get3A_60] {strides = array<i32>} : memref<16384xf32, #tpu.memory_space<vmem>>, vector<16xf32>,
      %add3A_62 = arith.addf %add3A_55, %get3A_61 : vector<16xf32>
      %mul3A_63 = arith.constant 16 : i32
      %mul3A_64 = arith.muli %scan3A_24, %mul3A_63 : i32
      %add3A_65 = arith.constant 6144 : i32
      %add3A_66 = arith.addi %add3A_65, %mul3A_64 : i32
      %get3A_67 = arith.index_cast %add3A_66 : i32 to index
      %get3A_68 = tpu.vector_load %arg5[%get3A_67] {strides = array<i32>} : memref<16384xf32, #tpu.memory_space<vmem>>, vector<16xf32>,
      %add3A_69 = arith.addf %add3A_62, %get3A_68 : vector<16xf32>
      %mul3A_70 = arith.constant 16 : i32
      %mul3A_71 = arith.muli %scan3A_24, %mul3A_70 : i32
      %add3A_72 = arith.constant 7168 : i32
      %add3A_73 = arith.addi %add3A_72, %mul3A_71 : i32
      %get3A_74 = arith.index_cast %add3A_73 : i32 to index
      %get3A_75 = tpu.vector_load %arg5[%get3A_74] {strides = array<i32>} : memref<16384xf32, #tpu.memory_space<vmem>>, vector<16xf32>,
      %add3A_76 = arith.addf %add3A_69, %get3A_75 : vector<16xf32>
      %mul3A_77 = arith.constant 16 : i32
      %mul3A_78 = arith.muli %scan3A_24, %mul3A_77 : i32
      %add3A_79 = arith.constant 8192 : i32
      %add3A_80 = arith.addi %add3A_79, %mul3A_78 : i32
      %get3A_81 = arith.index_cast %add3A_80 : i32 to index
      %get3A_82 = tpu.vector_load %arg5[%get3A_81] {strides = array<i32>} : memref<16384xf32, #tpu.memory_space<vmem>>, vector<16xf32>,
      %add3A_83 = arith.addf %add3A_76, %get3A_82 : vector<16xf32>
      %mul3A_84 = arith.constant 16 : i32
      %mul3A_85 = arith.muli %scan3A_24, %mul3A_84 : i32
      %add3A_86 = arith.constant 9216 : i32
      %add3A_87 = arith.addi %add3A_86, %mul3A_85 : i32
      %get3A_88 = arith.index_cast %add3A_87 : i32 to index
      %get3A_89 = tpu.vector_load %arg5[%get3A_88] {strides = array<i32>} : memref<16384xf32, #tpu.memory_space<vmem>>, vector<16xf32>,
      %add3A_90 = arith.addf %add3A_83, %get3A_89 : vector<16xf32>
      %mul3A_91 = arith.constant 16 : i32
      %mul3A_92 = arith.muli %scan3A_24, %mul3A_91 : i32
      %add3A_93 = arith.constant 10240 : i32
      %add3A_94 = arith.addi %add3A_93, %mul3A_92 : i32
      %get3A_95 = arith.index_cast %add3A_94 : i32 to index
      %get3A_96 = tpu.vector_load %arg5[%get3A_95] {strides = array<i32>} : memref<16384xf32, #tpu.memory_space<vmem>>, vector<16xf32>,
      %add3A_97 = arith.addf %add3A_90, %get3A_96 : vector<16xf32>
      %mul3A_98 = arith.constant 16 : i32
      %mul3A_99 = arith.muli %scan3A_24, %mul3A_98 : i32
      %add3A_100 = arith.constant 11264 : i32
      %add3A_101 = arith.addi %add3A_100, %mul3A_99 : i32
      %get3A_102 = arith.index_cast %add3A_101 : i32 to index
      %get3A_103 = tpu.vector_load %arg5[%get3A_102] {strides = array<i32>} : memref<16384xf32, #tpu.memory_space<vmem>>, vector<16xf32>,
      %add3A_104 = arith.addf %add3A_97, %get3A_103 : vector<16xf32>
      %mul3A_105 = arith.constant 16 : i32
      %mul3A_106 = arith.muli %scan3A_24, %mul3A_105 : i32
      %add3A_107 = arith.constant 12288 : i32
      %add3A_108 = arith.addi %add3A_107, %mul3A_106 : i32
      %get3A_109 = arith.index_cast %add3A_108 : i32 to index
      %get3A_110 = tpu.vector_load %arg5[%get3A_109] {strides = array<i32>} : memref<16384xf32, #tpu.memory_space<vmem>>, vector<16xf32>,
      %add3A_111 = arith.addf %add3A_104, %get3A_110 : vector<16xf32>
      %mul3A_112 = arith.constant 16 : i32
      %mul3A_113 = arith.muli %scan3A_24, %mul3A_112 : i32
      %add3A_114 = arith.constant 13312 : i32
      %add3A_115 = arith.addi %add3A_114, %mul3A_113 : i32
      %get3A_116 = arith.index_cast %add3A_115 : i32 to index
      %get3A_117 = tpu.vector_load %arg5[%get3A_116] {strides = array<i32>} : memref<16384xf32, #tpu.memory_space<vmem>>, vector<16xf32>,
      %add3A_118 = arith.addf %add3A_111, %get3A_117 : vector<16xf32>
      %mul3A_119 = arith.constant 16 : i32
      %mul3A_120 = arith.muli %scan3A_24, %mul3A_119 : i32
      %add3A_121 = arith.constant 14336 : i32
      %add3A_122 = arith.addi %add3A_121, %mul3A_120 : i32
      %get3A_123 = arith.index_cast %add3A_122 : i32 to index
      %get3A_124 = tpu.vector_load %arg5[%get3A_123] {strides = array<i32>} : memref<16384xf32, #tpu.memory_space<vmem>>, vector<16xf32>,
      %add3A_125 = arith.addf %add3A_118, %get3A_124 : vector<16xf32>
      %mul3A_126 = arith.constant 16 : i32
      %mul3A_127 = arith.muli %scan3A_24, %mul3A_126 : i32
      %add3A_128 = arith.constant 15360 : i32
      %add3A_129 = arith.addi %add3A_128, %mul3A_127 : i32
      %get3A_130 = arith.index_cast %add3A_129 : i32 to index
      %get3A_131 = tpu.vector_load %arg5[%get3A_130] {strides = array<i32>} : memref<16384xf32, #tpu.memory_space<vmem>>, vector<16xf32>,
      %add3A_132 = arith.addf %add3A_125, %get3A_131 : vector<16xf32>
      %mul3A_133 = arith.constant 16 : i32
      %mul3A_134 = arith.muli %scan3A_24, %mul3A_133 : i32
      %swap3A = arith.index_cast %mul3A_134 : i32 to index
      %swap3A_135 = tpu.vector_load %arg5[%swap3A] {strides = array<i32>} : memref<16384xf32, #tpu.memory_space<vmem>>, vector<16xf32>,
      tpu.vector_store %arg5[%swap3A], %add3A_132 {strides = array<i32>} : memref<16384xf32, #tpu.memory_space<vmem>>, vector<16xf32>,
    }
    %scan3A_23 = arith.constant 64 : i32
    "tpu.region"() ({
      %run_scoped3A = tpu.sem_alloc : memref<!tpu.dma_semaphore, #tpu.memory_space<semaphore_mem>>
      %dma_start3A = arith.constant 0 : i32
      %dma_start3A_24 = tpu.memref_slice %arg5[%dma_start3A] : memref<16384xf32, #tpu.memory_space<vmem>> -> memref<1024xf32, #tpu.memory_space<vmem>>
      %dma_start3A_25 = arith.constant 0 : i32
      %dma_start3A_26 = tpu.memref_slice %arg3[%add3A, %dma_start3A_25] : memref<32x1024xf32, #tpu.memory_space<hbm>> -> memref<1x1024xf32, #tpu.memory_space<hbm>>
      %dma_start3A_27 = tpu.memref_squeeze %dma_start3A_26 : memref<1x1024xf32, #tpu.memory_space<hbm>> -> memref<1024xf32, #tpu.memory_space<hbm>>
      %dma_start3A_28 = arith.constant 0 : i32
      %dma_start3A_29 = tpu.memref_slice %arg3[%add3A, %dma_start3A_28] : memref<32x1024xf32, #tpu.memory_space<hbm>> -> memref<1x1024xf32, #tpu.memory_space<hbm>>
      %dma_start3A_30 = tpu.memref_squeeze %dma_start3A_29 : memref<1x1024xf32, #tpu.memory_space<hbm>> -> memref<1024xf32, #tpu.memory_space<hbm>>
      %dma_start3A_31 = arith.constant 0 : i32
      %dma_start3A_32 = tpu.memref_slice %arg5[%dma_start3A_31] : memref<16384xf32, #tpu.memory_space<vmem>> -> memref<1024xf32, #tpu.memory_space<vmem>>
      tpu.enqueue_dma source(%dma_start3A_32 : memref<1024xf32, #tpu.memory_space<vmem>>) target(%dma_start3A_30 : memref<1024xf32, #tpu.memory_space<hbm>>) target_semaphore(%run_scoped3A : memref<!tpu.dma_semaphore, #tpu.memory_space<semaphore_mem>>)
      %dma_wait3A = arith.constant 0 : i32
      %dma_wait3A_33 = tpu.memref_slice %arg5[%dma_wait3A] : memref<16384xf32, #tpu.memory_space<vmem>> -> memref<1024xf32, #tpu.memory_space<vmem>>
      %dma_wait3A_34 = arith.constant 0 : i32
      %dma_wait3A_35 = tpu.memref_slice %arg3[%add3A, %dma_wait3A_34] : memref<32x1024xf32, #tpu.memory_space<hbm>> -> memref<1x1024xf32, #tpu.memory_space<hbm>>
      %dma_wait3A_36 = tpu.memref_squeeze %dma_wait3A_35 : memref<1x1024xf32, #tpu.memory_space<hbm>> -> memref<1024xf32, #tpu.memory_space<hbm>>
      %dma_wait3A_37 = arith.constant 0 : i32
      %dma_wait3A_38 = tpu.memref_slice %arg3[%add3A, %dma_wait3A_37] : memref<32x1024xf32, #tpu.memory_space<hbm>> -> memref<1x1024xf32, #tpu.memory_space<hbm>>
      %dma_wait3A_39 = tpu.memref_squeeze %dma_wait3A_38 : memref<1x1024xf32, #tpu.memory_space<hbm>> -> memref<1024xf32, #tpu.memory_space<hbm>>
      %dma_wait3A_40 = arith.constant 0 : i32
      %dma_wait3A_41 = tpu.memref_slice %arg5[%dma_wait3A_40] : memref<16384xf32, #tpu.memory_space<vmem>> -> memref<1024xf32, #tpu.memory_space<vmem>>
      tpu.wait_dma2 semaphore(%run_scoped3A : memref<!tpu.dma_semaphore, #tpu.memory_space<semaphore_mem>>) src(%dma_wait3A_41 : memref<1024xf32, #tpu.memory_space<vmem>>) dst(%dma_wait3A_39 : memref<1024xf32, #tpu.memory_space<hbm>>)
      tpu.yield
    }) : () -> ()
    return
  }
}

module attributes {stable_mosaic.version = 14 : i64} {
  func.func @_vq_main_body(%arg0: i32, %arg1: memref<1x1xf32, #tpu.memory_space<smem>>, %arg2: memref<1x32x1024xf32, #tpu.memory_space<vmem>>, %arg3: memref<1024x32xf32, #tpu.memory_space<vmem>>, %arg4: memref<40x1024xbf16, #tpu.memory_space<vmem>>, %arg5: memref<1x32x1024xf32, #tpu.memory_space<vmem>>, %arg6: memref<1x1x1024xi32, #tpu.memory_space<vmem>>, %arg7: memref<1x1024xf32, #tpu.memory_space<vmem>>, %arg8: memref<1x1024xf32, #tpu.memory_space<vmem>>) attributes {dimension_semantics = [#tpu.dimension_semantics<arbitrary>], iteration_bounds = array<i64: 16>, scalar_prefetch = 0 : i64, scratch_operands = 0 : i64, tpu.core_type = #tpu.core_type<tc>, window_params = [{transform_indices = @transform_0, window_bounds = array<i64: 1, 1>}, {transform_indices = @transform_1, window_bounds = array<i64: 1, 32, 1024>}, {pipeline_mode = #tpu.pipeline_mode<synchronous>, transform_indices = @transform_2, window_bounds = array<i64: 1024, 32>}, {pipeline_mode = #tpu.pipeline_mode<synchronous>, transform_indices = @transform_3, window_bounds = array<i64: 40, 1024>}, {transform_indices = @transform_4, window_bounds = array<i64: 1, 32, 1024>}, {transform_indices = @transform_5, window_bounds = array<i64: 1, 1, 1024>}, {pipeline_mode = #tpu.pipeline_mode<synchronous>, transform_indices = @transform_6, window_bounds = array<i64: 1, 1024>}, {pipeline_mode = #tpu.pipeline_mode<synchronous>, transform_indices = @transform_7, window_bounds = array<i64: 1, 1024>}]} {
    %get3A = arith.constant 0 : index
    %get3A_0 = arith.constant 0 : index
    %get3A_1 = memref.load %arg1[%get3A, %get3A_0] : memref<1x1xf32, #tpu.memory_space<smem>>
    %max3A = arith.constant 1.000000e-10 : f32
    %max3A_2 = arith.maximumf %get3A_1, %max3A : f32
    %div3A = arith.constant 5.000000e-01 : f32
    %div3A_3 = arith.divf %div3A, %max3A_2 : f32
    %get3A_4 = arith.constant 0 : index
    %get3A_5 = arith.constant 0 : index
    %get3A_6 = arith.constant 0 : index
    %get3A_7 = vector.load %arg2[%get3A_4, %get3A_5, %get3A_6] : memref<1x32x1024xf32, #tpu.memory_space<vmem>>, vector<1x32x1024xf32>
    %get3A_8 = vector.shape_cast %get3A_7 : vector<1x32x1024xf32> to vector<32x1024xf32>
    %get3A_9 = arith.constant 0 : index
    %get3A_10 = arith.constant 0 : index
    %get3A_11 = vector.load %arg3[%get3A_9, %get3A_10] : memref<1024x32xf32, #tpu.memory_space<vmem>>, vector<1024x32xf32>
    %get3A_12 = arith.constant 0 : index
    %get3A_13 = arith.constant 0 : index
    %get3A_14 = vector.load %arg4[%get3A_12, %get3A_13] : memref<40x1024xbf16, #tpu.memory_space<vmem>>, vector<40x1024xbf16>
    %mul3A = arith.mulf %get3A_8, %get3A_8 : vector<32x1024xf32>
    %reduce_sum3A = arith.constant dense<0.000000e+00> : vector<1024xf32>
    %reduce_sum3A_15 = vector.multi_reduction <add>, %mul3A, %reduce_sum3A [0] : vector<32x1024xf32> to vector<1024xf32>
    %broadcast_in_dim3A = vector.shape_cast %reduce_sum3A_15 : vector<1024xf32> to vector<1x1024xf32>
    %mul3A_16 = arith.mulf %get3A_11, %get3A_11 : vector<1024x32xf32>
    %reduce_sum3A_17 = arith.constant dense<0.000000e+00> : vector<1024xf32>
    %reduce_sum3A_18 = vector.multi_reduction <add>, %mul3A_16, %reduce_sum3A_17 [1] : vector<1024x32xf32> to vector<1024xf32>
    %broadcast_in_dim3A_19 = vector.shape_cast %reduce_sum3A_18 : vector<1024xf32> to vector<1024x1xf32>
    %mul3A_20 = arith.constant 2.500000e-01 : f32
    %mul3A_21 = vector.broadcast %mul3A_20 : f32 to vector<1024x1xf32>
    %mul3A_22 = arith.mulf %mul3A_21, %broadcast_in_dim3A_19 : vector<1024x1xf32>
    %dot_general3A = arith.constant dense<0.000000e+00> : vector<1024x1024xf32>
    %dot_general3A_23 = tpu.matmul %get3A_11, %get3A_8, %dot_general3A {dimension_numbers = #tpu.dot_dimension_numbers<[1], [0], [0], [1], [0, 0, 1, 1], [], []>, transpose_lhs_hint = false} : vector<1024x32xf32>, vector<32x1024xf32>, vector<1024x1024xf32> -> vector<1024x1024xf32>
    %add3A = vector.broadcast %broadcast_in_dim3A : vector<1x1024xf32> to vector<1024x1024xf32>
    %add3A_24 = vector.broadcast %mul3A_22 : vector<1024x1xf32> to vector<1024x1024xf32>
    %add3A_25 = arith.addf %add3A, %add3A_24 : vector<1024x1024xf32>
    %sub3A = arith.subf %add3A_25, %dot_general3A_23 : vector<1024x1024xf32>
    %mul3A_26 = vector.broadcast %div3A_3 : f32 to vector<1024x1024xf32>
    %mul3A_27 = arith.mulf %mul3A_26, %sub3A : vector<1024x1024xf32>
    %reduce_min3A = arith.constant dense<0x7F800000> : vector<1024xf32>
    %reduce_min3A_28 = vector.multi_reduction <minimumf>, %mul3A_27, %reduce_min3A [0] : vector<1024x1024xf32> to vector<1024xf32>
    %broadcast_in_dim3A_29 = vector.shape_cast %reduce_min3A_28 : vector<1024xf32> to vector<1x1024xf32>
    %eq3A = vector.broadcast %broadcast_in_dim3A_29 : vector<1x1024xf32> to vector<1024x1024xf32>
    %eq3A_30 = arith.cmpf oeq, %mul3A_27, %eq3A : vector<1024x1024xf32>
    %jit3A = arith.constant 1.000000e+00 : f32
    %jit3A_31 = arith.constant 0.000000e+00 : f32
    %broadcast_in_dim3A_32 = vector.broadcast %jit3A : f32 to vector<1024x1024xf32>
    %broadcast_in_dim3A_33 = vector.broadcast %jit3A_31 : f32 to vector<1024x1024xf32>
    %select_n3A = arith.select %eq3A_30, %broadcast_in_dim3A_32, %broadcast_in_dim3A_33 : vector<1024x1024xi1>, vector<1024x1024xf32>
    %convert_element_type3A = arith.truncf %select_n3A : vector<1024x1024xf32> to vector<1024x1024xbf16>
    %dot_general3A_34 = arith.constant dense<0.000000e+00> : vector<40x1024xf32>
    %dot_general3A_35 = tpu.matmul %get3A_14, %convert_element_type3A, %dot_general3A_34 {dimension_numbers = #tpu.dot_dimension_numbers<[1], [0], [0], [1], [0, 0, 1, 1], [], []>, transpose_lhs_hint = false} : vector<40x1024xbf16>, vector<1024x1024xbf16>, vector<40x1024xf32> -> vector<40x1024xf32>
    %slice3A = vector.extract_strided_slice %dot_general3A_35 {offsets = [0, 0], sizes = [1, 1024], strides = [1, 1]} : vector<40x1024xf32> to vector<1x1024xf32>
    %squeeze3A = vector.shape_cast %slice3A : vector<1x1024xf32> to vector<1024xf32>
    %mul3A_36 = arith.constant 3.200000e+01 : f32
    %mul3A_37 = vector.broadcast %mul3A_36 : f32 to vector<1024xf32>
    %mul3A_38 = arith.mulf %squeeze3A, %mul3A_37 : vector<1024xf32>
    %slice3A_39 = vector.extract_strided_slice %dot_general3A_35 {offsets = [1, 0], sizes = [1, 1024], strides = [1, 1]} : vector<40x1024xf32> to vector<1x1024xf32>
    %squeeze3A_40 = vector.shape_cast %slice3A_39 : vector<1x1024xf32> to vector<1024xf32>
    %add3A_41 = arith.addf %mul3A_38, %squeeze3A_40 : vector<1024xf32>
    %convert_element_type3A_42 = arith.fptosi %add3A_41 : vector<1024xf32> to vector<1024xi32>
    %jit3A_43 = arith.constant 0 : i32
    %jit3A_44 = arith.constant 1023 : i32
    %max3A_45 = vector.broadcast %jit3A_43 : i32 to vector<1024xi32>
    %max3A_46 = arith.maxsi %max3A_45, %convert_element_type3A_42 : vector<1024xi32>
    %min3A = vector.broadcast %jit3A_44 : i32 to vector<1024xi32>
    %min3A_47 = arith.minsi %min3A, %max3A_46 : vector<1024xi32>
    %broadcast_in_dim3A_48 = vector.shape_cast %min3A_47 : vector<1024xi32> to vector<1x1024xi32>
    %swap3A = arith.constant 0 : index
    %swap3A_49 = arith.constant 0 : index
    %swap3A_50 = arith.constant 0 : index
    %swap3A_51 = vector.load %arg6[%swap3A, %swap3A_49, %swap3A_50] : memref<1x1x1024xi32, #tpu.memory_space<vmem>>, vector<1x1x1024xi32>
    %swap3A_52 = vector.shape_cast %swap3A_51 : vector<1x1x1024xi32> to vector<1x1024xi32>
    %swap3A_53 = vector.shape_cast %broadcast_in_dim3A_48 : vector<1x1024xi32> to vector<1x1x1024xi32>
    tpu.vector_store %arg6[%swap3A, %swap3A_49, %swap3A_50], %swap3A_53 {strides = array<i32>} : memref<1x1x1024xi32, #tpu.memory_space<vmem>>, vector<1x1x1024xi32>,
    %slice3A_54 = vector.extract_strided_slice %dot_general3A_35 {offsets = [8, 0], sizes = [32, 1024], strides = [1, 1]} : vector<40x1024xf32> to vector<32x1024xf32>
    %swap3A_55 = arith.constant 0 : index
    %swap3A_56 = arith.constant 0 : index
    %swap3A_57 = arith.constant 0 : index
    %swap3A_58 = vector.load %arg5[%swap3A_55, %swap3A_56, %swap3A_57] : memref<1x32x1024xf32, #tpu.memory_space<vmem>>, vector<1x32x1024xf32>
    %swap3A_59 = vector.shape_cast %swap3A_58 : vector<1x32x1024xf32> to vector<32x1024xf32>
    %swap3A_60 = vector.shape_cast %slice3A_54 : vector<32x1024xf32> to vector<1x32x1024xf32>
    tpu.vector_store %arg5[%swap3A_55, %swap3A_56, %swap3A_57], %swap3A_60 {strides = array<i32>} : memref<1x32x1024xf32, #tpu.memory_space<vmem>>, vector<1x32x1024xf32>,
    %sub3A_61 = vector.broadcast %broadcast_in_dim3A_29 : vector<1x1024xf32> to vector<1024x1024xf32>
    %sub3A_62 = arith.subf %sub3A_61, %mul3A_27 : vector<1024x1024xf32>
    %convert_element_type3A_63 = arith.truncf %sub3A_62 : vector<1024x1024xf32> to vector<1024x1024xbf16>
    %mul3A_64 = arith.constant 1.445310e+00 : bf16
    %mul3A_65 = vector.broadcast %mul3A_64 : bf16 to vector<1024x1024xbf16>
    %mul3A_66 = arith.mulf %convert_element_type3A_63, %mul3A_65 : vector<1024x1024xbf16>
    %exp23A = math.exp2 %mul3A_66 : vector<1024x1024xbf16>
    %broadcast_in_dim3A_67 = arith.constant 1.000000e+00 : bf16
    %broadcast_in_dim3A_68 = vector.broadcast %broadcast_in_dim3A_67 : bf16 to vector<1x1024xbf16>
    %dot_general3A_69 = arith.constant dense<0.000000e+00> : vector<1x1024xf32>
    %dot_general3A_70 = tpu.matmul %broadcast_in_dim3A_68, %exp23A, %dot_general3A_69 {dimension_numbers = #tpu.dot_dimension_numbers<[1], [0], [0], [1], [0, 0, 1, 1], [], []>, transpose_lhs_hint = false} : vector<1x1024xbf16>, vector<1024x1024xbf16>, vector<1x1024xf32> -> vector<1x1024xf32>
    %mul3A_71 = arith.mulf %mul3A_66, %exp23A : vector<1024x1024xbf16>
    %dot_general3A_72 = arith.constant dense<0.000000e+00> : vector<1x1024xf32>
    %dot_general3A_73 = tpu.matmul %broadcast_in_dim3A_68, %mul3A_71, %dot_general3A_72 {dimension_numbers = #tpu.dot_dimension_numbers<[1], [0], [0], [1], [0, 0, 1, 1], [], []>, transpose_lhs_hint = false} : vector<1x1024xbf16>, vector<1024x1024xbf16>, vector<1x1024xf32> -> vector<1x1024xf32>
    %mul3A_74 = arith.constant 0.693147182 : f32
    %mul3A_75 = vector.broadcast %mul3A_74 : f32 to vector<1x1024xf32>
    %mul3A_76 = arith.mulf %dot_general3A_73, %mul3A_75 : vector<1x1024xf32>
    %div3A_77 = arith.divf %mul3A_76, %dot_general3A_70 : vector<1x1024xf32>
    %log3A = math.log %dot_general3A_70 : vector<1x1024xf32>
    %sub3A_78 = arith.subf %div3A_77, %log3A : vector<1x1024xf32>
    %eq3A_79 = arith.constant 0 : i32
    %eq3A_80 = arith.cmpi eq, %arg0, %eq3A_79 : i32
    %convert_element_type3A_81 = arith.extui %eq3A_80 : i1 to i32
    %cond3A = arith.constant 0 : i32
    %cond3A_82 = arith.cmpi ne, %convert_element_type3A_81, %cond3A : i32
    scf.if %cond3A_82 {
      %broadcast_in_dim3A_97 = arith.constant 0.000000e+00 : f32
      %broadcast_in_dim3A_98 = vector.broadcast %broadcast_in_dim3A_97 : f32 to vector<1x1024xf32>
      %swap3A_99 = arith.constant 0 : index
      %swap3A_100 = arith.constant 0 : index
      %swap3A_101 = vector.load %arg7[%swap3A_99, %swap3A_100] : memref<1x1024xf32, #tpu.memory_space<vmem>>, vector<1x1024xf32>
      tpu.vector_store %arg7[%swap3A_99, %swap3A_100], %broadcast_in_dim3A_98 {strides = array<i32>} : memref<1x1024xf32, #tpu.memory_space<vmem>>, vector<1x1024xf32>,
      %broadcast_in_dim3A_102 = arith.constant 0.000000e+00 : f32
      %broadcast_in_dim3A_103 = vector.broadcast %broadcast_in_dim3A_102 : f32 to vector<1x1024xf32>
      %swap3A_104 = arith.constant 0 : index
      %swap3A_105 = arith.constant 0 : index
      %swap3A_106 = vector.load %arg8[%swap3A_104, %swap3A_105] : memref<1x1024xf32, #tpu.memory_space<vmem>>, vector<1x1024xf32>
      tpu.vector_store %arg8[%swap3A_104, %swap3A_105], %broadcast_in_dim3A_103 {strides = array<i32>} : memref<1x1024xf32, #tpu.memory_space<vmem>>, vector<1x1024xf32>,
    } else {
    }
    %get3A_83 = arith.constant 0 : index
    %get3A_84 = arith.constant 0 : index
    %get3A_85 = vector.load %arg7[%get3A_83, %get3A_84] : memref<1x1024xf32, #tpu.memory_space<vmem>>, vector<1x1024xf32>
    %add3A_86 = arith.addf %get3A_85, %sub3A_78 : vector<1x1024xf32>
    %swap3A_87 = arith.constant 0 : index
    %swap3A_88 = arith.constant 0 : index
    %swap3A_89 = vector.load %arg7[%swap3A_87, %swap3A_88] : memref<1x1024xf32, #tpu.memory_space<vmem>>, vector<1x1024xf32>
    tpu.vector_store %arg7[%swap3A_87, %swap3A_88], %add3A_86 {strides = array<i32>} : memref<1x1024xf32, #tpu.memory_space<vmem>>, vector<1x1024xf32>,
    %get3A_90 = arith.constant 0 : index
    %get3A_91 = arith.constant 0 : index
    %get3A_92 = vector.load %arg8[%get3A_90, %get3A_91] : memref<1x1024xf32, #tpu.memory_space<vmem>>, vector<1x1024xf32>
    %add3A_93 = arith.addf %get3A_92, %broadcast_in_dim3A_29 : vector<1x1024xf32>
    %swap3A_94 = arith.constant 0 : index
    %swap3A_95 = arith.constant 0 : index
    %swap3A_96 = vector.load %arg8[%swap3A_94, %swap3A_95] : memref<1x1024xf32, #tpu.memory_space<vmem>>, vector<1x1024xf32>
    tpu.vector_store %arg8[%swap3A_94, %swap3A_95], %add3A_93 {strides = array<i32>} : memref<1x1024xf32, #tpu.memory_space<vmem>>, vector<1x1024xf32>,
    return
  }
  func.func @transform_0(%arg0: i32) -> (i32, i32) {
    %c0_i32 = arith.constant 0 : i32
    %c0_i32_0 = arith.constant 0 : i32
    %c0_i32_1 = arith.constant 0 : i32
    return %c0_i32, %c0_i32_0 : i32, i32
  }
  func.func @transform_1(%arg0: i32) -> (i32, i32, i32) {
    %c0_i32 = arith.constant 0 : i32
    %c0_i32_0 = arith.constant 0 : i32
    %c0_i32_1 = arith.constant 0 : i32
    return %arg0, %c0_i32, %c0_i32_0 : i32, i32, i32
  }
  func.func @transform_2(%arg0: i32) -> (i32, i32) {
    %c0_i32 = arith.constant 0 : i32
    %c0_i32_0 = arith.constant 0 : i32
    %c0_i32_1 = arith.constant 0 : i32
    return %c0_i32, %c0_i32_0 : i32, i32
  }
  func.func @transform_3(%arg0: i32) -> (i32, i32) {
    %c0_i32 = arith.constant 0 : i32
    %c0_i32_0 = arith.constant 0 : i32
    %c0_i32_1 = arith.constant 0 : i32
    return %c0_i32, %c0_i32_0 : i32, i32
  }
  func.func @transform_4(%arg0: i32) -> (i32, i32, i32) {
    %c0_i32 = arith.constant 0 : i32
    %c0_i32_0 = arith.constant 0 : i32
    %c0_i32_1 = arith.constant 0 : i32
    return %arg0, %c0_i32, %c0_i32_0 : i32, i32, i32
  }
  func.func @transform_5(%arg0: i32) -> (i32, i32, i32) {
    %c0_i32 = arith.constant 0 : i32
    %c0_i32_0 = arith.constant 0 : i32
    %c0_i32_1 = arith.constant 0 : i32
    return %arg0, %c0_i32, %c0_i32_0 : i32, i32, i32
  }
  func.func @transform_6(%arg0: i32) -> (i32, i32) {
    %c0_i32 = arith.constant 0 : i32
    %c0_i32_0 = arith.constant 0 : i32
    %c0_i32_1 = arith.constant 0 : i32
    return %c0_i32, %c0_i32_0 : i32, i32
  }
  func.func @transform_7(%arg0: i32) -> (i32, i32) {
    %c0_i32 = arith.constant 0 : i32
    %c0_i32_0 = arith.constant 0 : i32
    %c0_i32_1 = arith.constant 0 : i32
    return %c0_i32, %c0_i32_0 : i32, i32
  }
}

module attributes {stable_mosaic.version = 14 : i64} {
  func.func @_finish_body(%arg0: memref<32x1024xf32, #tpu.memory_space<vmem>>, %arg1: memref<1x1024xf32, #tpu.memory_space<vmem>>, %arg2: memref<1x1024xf32, #tpu.memory_space<vmem>>, %arg3: memref<1x128xf32, #tpu.memory_space<vmem>>, %arg4: memref<1x128xf32, #tpu.memory_space<vmem>>) attributes {dimension_semantics = [], scalar_prefetch = 0 : i64, scratch_operands = 0 : i64, tpu.core_type = #tpu.core_type<tc>} {
    %get3A = arith.constant 0 : index
    %get3A_0 = arith.constant 0 : index
    %get3A_1 = vector.load %arg0[%get3A, %get3A_0] : memref<32x1024xf32, #tpu.memory_space<vmem>>, vector<32x1024xf32>
    %reduce_sum3A = arith.constant dense<0.000000e+00> : vector<1024xf32>
    %reduce_sum3A_2 = vector.multi_reduction <add>, %get3A_1, %reduce_sum3A [0] : vector<32x1024xf32> to vector<1024xf32>
    %broadcast_in_dim3A = vector.shape_cast %reduce_sum3A_2 : vector<1024xf32> to vector<1x1024xf32>
    %mul3A = arith.constant 6.10351563E-5 : f32
    %mul3A_3 = vector.broadcast %mul3A : f32 to vector<1x1024xf32>
    %mul3A_4 = arith.mulf %broadcast_in_dim3A, %mul3A_3 : vector<1x1024xf32>
    %add3A = arith.constant 1.000000e-07 : f32
    %add3A_5 = vector.broadcast %add3A : f32 to vector<1x1024xf32>
    %add3A_6 = arith.addf %mul3A_4, %add3A_5 : vector<1x1024xf32>
    %log3A = math.log %add3A_6 : vector<1x1024xf32>
    %mul3A_7 = arith.mulf %mul3A_4, %log3A : vector<1x1024xf32>
    %reduce_sum3A_8 = vector.shape_cast %mul3A_7 : vector<1x1024xf32> to vector<1x1x1024xf32>
    %reduce_sum3A_9 = arith.constant dense<0.000000e+00> : vector<1xf32>
    %reduce_sum3A_10 = vector.multi_reduction <add>, %reduce_sum3A_8, %reduce_sum3A_9 [1, 2] : vector<1x1x1024xf32> to vector<1xf32>
    %reduce_sum3A_11 = vector.shape_cast %reduce_sum3A_10 : vector<1xf32> to vector<1x1x1xf32>
    %reduce_sum3A_12 = vector.extract %reduce_sum3A_11[0, 0, 0] : f32 from vector<1x1x1xf32>
    %broadcast_in_dim3A_13 = arith.constant 0.000000e+00 : f32
    %broadcast_in_dim3A_14 = vector.broadcast %broadcast_in_dim3A_13 : f32 to vector<1x128xf32>
    %neg3A = arith.constant 0.000000e+00 : f32
    %neg3A_15 = arith.subf %neg3A, %reduce_sum3A_12 : f32
    %exp3A = math.exp %neg3A_15 : f32
    %add3A_16 = vector.broadcast %exp3A : f32 to vector<1x128xf32>
    %add3A_17 = arith.addf %broadcast_in_dim3A_14, %add3A_16 : vector<1x128xf32>
    %swap3A = arith.constant 0 : index
    %swap3A_18 = arith.constant 0 : index
    %swap3A_19 = vector.load %arg4[%swap3A, %swap3A_18] : memref<1x128xf32, #tpu.memory_space<vmem>>, vector<1x128xf32>
    tpu.vector_store %arg4[%swap3A, %swap3A_18], %add3A_17 {strides = array<i32>} : memref<1x128xf32, #tpu.memory_space<vmem>>, vector<1x128xf32>,
    %get3A_20 = arith.constant 0 : index
    %get3A_21 = arith.constant 0 : index
    %get3A_22 = vector.load %arg1[%get3A_20, %get3A_21] : memref<1x1024xf32, #tpu.memory_space<vmem>>, vector<1x1024xf32>
    %reduce_sum3A_23 = vector.shape_cast %get3A_22 : vector<1x1024xf32> to vector<1x1x1024xf32>
    %reduce_sum3A_24 = arith.constant dense<0.000000e+00> : vector<1xf32>
    %reduce_sum3A_25 = vector.multi_reduction <add>, %reduce_sum3A_23, %reduce_sum3A_24 [1, 2] : vector<1x1x1024xf32> to vector<1xf32>
    %reduce_sum3A_26 = vector.shape_cast %reduce_sum3A_25 : vector<1xf32> to vector<1x1x1xf32>
    %reduce_sum3A_27 = vector.extract %reduce_sum3A_26[0, 0, 0] : f32 from vector<1x1x1xf32>
    %get3A_28 = arith.constant 0 : index
    %get3A_29 = arith.constant 0 : index
    %get3A_30 = vector.load %arg2[%get3A_28, %get3A_29] : memref<1x1024xf32, #tpu.memory_space<vmem>>, vector<1x1024xf32>
    %reduce_sum3A_31 = vector.shape_cast %get3A_30 : vector<1x1024xf32> to vector<1x1x1024xf32>
    %reduce_sum3A_32 = arith.constant dense<0.000000e+00> : vector<1xf32>
    %reduce_sum3A_33 = vector.multi_reduction <add>, %reduce_sum3A_31, %reduce_sum3A_32 [1, 2] : vector<1x1x1024xf32> to vector<1xf32>
    %reduce_sum3A_34 = vector.shape_cast %reduce_sum3A_33 : vector<1xf32> to vector<1x1x1xf32>
    %reduce_sum3A_35 = vector.extract %reduce_sum3A_34[0, 0, 0] : f32 from vector<1x1x1xf32>
    %add3A_36 = arith.addf %reduce_sum3A_27, %reduce_sum3A_35 : f32
    %broadcast_in_dim3A_37 = arith.constant 0.000000e+00 : f32
    %broadcast_in_dim3A_38 = vector.broadcast %broadcast_in_dim3A_37 : f32 to vector<1x128xf32>
    %mul3A_39 = arith.constant 6.250000e-02 : f32
    %mul3A_40 = arith.mulf %add3A_36, %mul3A_39 : f32
    %add3A_41 = vector.broadcast %mul3A_40 : f32 to vector<1x128xf32>
    %add3A_42 = arith.addf %broadcast_in_dim3A_38, %add3A_41 : vector<1x128xf32>
    %swap3A_43 = arith.constant 0 : index
    %swap3A_44 = arith.constant 0 : index
    %swap3A_45 = vector.load %arg3[%swap3A_43, %swap3A_44] : memref<1x128xf32, #tpu.memory_space<vmem>>, vector<1x128xf32>
    tpu.vector_store %arg3[%swap3A_43, %swap3A_44], %add3A_42 {strides = array<i32>} : memref<1x128xf32, #tpu.memory_space<vmem>>, vector<1x128xf32>,
    return
  }
}

</mosaic_0001>

<sc_bundles>
// kernel: kernel.5.cloned.1.call-start
scs
__scs_entry_jumppad:
0x0: {  	(pc) =	sbr.rel $0x88, $3  }
0x1: {  	(tag) =	ssettag $0x0;
	lr =	simm.s32 $0x1  }
0x2: {  	[smem:$0x3F9E] =	sst lr;
	_ =	strace $0xD0000000  }
0x3: {  	_ = 	snop  }
0x4: {  	_ = 	snop  }
0x5: {  	_ = 	snop  }
0x6: {  	_ = 	snop  }
0x7: {  	_ = 	snop  }
__scs_overlays_trampoline_lowered:
0x8: {  	[smem:$0x3FAD] =	sst s0  }
0x9: {  	[smem:$0x3FAE] =	sst s1  }
0xa: {  	[smem:$0x3FAF] =	sst s2  }
0xb: {  	[smem:$0x3FB0] =	sst s3  }
0xc: {  	[smem:$0x3FB1] =	sst s4  }
0xd: {  	[smem:$0x3FB2] =	sst s5  }
0xe: {  	[smem:$0x3FB3] =	sst s6  }
0xf: {  	[smem:$0x3FB4] =	sst s7  }
0x10: {  	[smem:$0x3FB5] =	sst s8  }
0x11: {  	[smem:$0x3FB6] =	sst s9;
	s0 =	simm.s32 @!p0 $0x0  }
0x12: {  	s1 =	sld [smem:$0x3F9C];
	s0 =	simm.s32 @p0 $0x1  }
0x13: {  	[smem:$0x3FB7] =	sst s0;
	s0 =	simm.s32 @!p1 $0x0  }
0x14: {  	s2 =	sld [smem:$0x3F9B];
	s0 =	simm.s32 @p1 $0x1  }
0x15: {  	[smem:$0x3FB8] =	sst s0;
	s0 =	simm.s32 @!p2 $0x0  }
0x16: {  	s3 =	sld [smem:$0x3FDB];
	s0 =	simm.s32 @p2 $0x1  }
0x17: {  	s4 =	simm.s32 $0x1BF5;
	[smem:$0x3FBA] =	sst s0  }
0x18: {  	s0 =	sld [smem:$0x3F9D];
	_ =	swait.ge [sflag:s4], $0x0  }
0x19: {  	s7 =	sld [smem:$0x3F9E]  }
0x1a: {  	s8 =	sadd.s32 $0xFFFFE003, lr  }
0x1b: {  	s9 =	sadd.s32 $0xFFFFFEF7, lr;
	s5 =	simm.s32 $0xFFFFFFFF;
	p2 =	slt.u32 s8, $0xFFFFF086  }
0x1c: {  	p1 =	slt.u32 s9, $0xF7A;
	s5 =	simm.s32 @!p2 $0x0  }
0x1d: {  	s5 =	simm.s32 @p1 $0x1;
	p0 =	seq.s32 s7, s2  }
0x1e: {  	s7 =	smul.u32 @!p0 $0xF7A, s2;
	p2 =	seq.s32 @!p0 s5, $0x0  }
0x1f: {  	s9 =	smul.u32 $0xF7A, s1;
	s8 =	simm.s32 @!p0 $0x1BF5;
	p2 =	por !p2, p0  }
0x20: {  	[sflag:s8] =	ssyncset.s32 @!p0 $0xFFFFF086;
	s6 =	sadd.s32 @!p0 s3, s7;
	s7 =	simm.s32 @!p0 $0x108  }
0x21: {  	s3 =	sadd.s32 s3, s9;
	s6 =	sadd.s32 @!p0 $0x88, s6;
	s7 =	simm.s32 @p2 $0x1082  }
0x22: {  	[simem:s7], [sflag:s8] =	dma.local @!p0 [hbm:s6], $0xF7A  }
0x23: {  	s9 =	sor.u32 $0xD0000000, s2;
	s6 =	simm.s32 $0x108;
	_ =	swait.ge @!p0 [sflag:s8], $0x0  }
0x24: {  	s3 =	sadd.s32 $0x88, s3;
	s6 =	simm.s32 @!p1 $0x1082;
	[sflag:s4] =	ssyncset.s32 $0xFFFFF086  }
0x25: {  	[simem:s6], [sflag:s4] =	dma.local [hbm:s3], $0xF7A  }
0x26: {  	[smem:$0x3F9E] =	sst s1;
	(tag) =	ssettag s2;
	_ =	strace s9  }
0x27: {  	s1 =	sld [smem:$0x3FAE]  }
0x28: {  	s2 =	sld [smem:$0x3FAF]  }
0x29: {  	s4 =	sld [smem:$0x3FB1]  }
0x2a: {  	p0 =	seq.s32 s5, $0x0;
	s5 =	sld [smem:$0x3FB2]  }
0x2b: {  	s6 =	sld [smem:$0x3FB3]  }
0x2c: {  	s7 =	sld [smem:$0x3FB4]  }
0x2d: {  	s3 =	simm.s32 $0x108;
	s8 =	sld [smem:$0x3FB5]  }
0x2e: {  	s3 =	simm.s32 @!p0 $0x1082;
	s9 =	sld [smem:$0x3FB6]  }
0x2f: {  	lr =	sadd.s32 s0, s3;
	s0 =	sld [smem:$0x3FAD]  }
0x30: {  	s3 =	sld [smem:$0x3FB0]  }
0x31: {  	[smem:$0x3FB9] =	sst s10  }
0x32: {  	s10 =	sld [smem:$0x3FB7];
	_ =	sdelay $0x3  }
0x33: {  	p0 =	seq.s32 s10, $0x1;
	s10 =	sld [smem:$0x3FB9];
	_ =	sdelay $0x3  }
0x34: {  	[smem:$0x3FB9] =	sst s10  }
0x35: {  	s10 =	sld [smem:$0x3FB8];
	_ =	sdelay $0x3  }
0x36: {  	p1 =	seq.s32 s10, $0x1;
	s10 =	sld [smem:$0x3FB9];
	_ =	sdelay $0x3  }
0x37: {  	[smem:$0x3FB9] =	sst s10  }
0x38: {  	s10 =	sld [smem:$0x3FBA]  }
0x39: {  	_ = 	snop;
	(pc) =	sbr.ind lr, $3  }
0x3a: {  	_ = 	snop  }
0x3b: {  	_ = 	snop  }
0x3c: {  	p2 =	seq.s32 s10, $0x1;
	s10 =	sld [smem:$0x3FB9]  }
0x3d: {  	_ =	shalt  }
0x3e: {  	_ =	shalt  }
0x3f: {  	_ =	shalt  }
0x40: {  	_ =	shalt  }
0x41: {  	_ =	shalt  }
0x42: {  	_ =	shalt  }
0x43: {  	_ =	shalt  }
0x44: {  	_ =	shalt  }
0x45: {  	_ =	shalt  }
0x46: {  	_ =	shalt  }
0x47: {  	_ =	shalt  }
0x48: {  	_ =	shalt  }
0x49: {  	_ =	shalt  }
0x4a: {  	_ =	shalt  }
0x4b: {  	_ =	shalt  }
0x4c: {  	_ =	shalt  }
0x4d: {  	_ =	shalt  }
0x4e: {  	_ =	shalt  }
0x4f: {  	_ =	shalt  }
0x50: {  	_ =	shalt  }
0x51: {  	_ =	shalt  }
0x52: {  	_ =	shalt  }
0x53: {  	_ =	shalt  }
0x54: {  	_ =	shalt  }
0x55: {  	_ =	shalt  }
0x56: {  	_ =	shalt  }
0x57: {  	_ =	shalt  }
0x58: {  	_ =	shalt  }
0x59: {  	_ =	shalt  }
0x5a: {  	_ =	shalt  }
0x5b: {  	_ =	shalt  }
0x5c: {  	_ =	shalt  }
0x5d: {  	_ =	shalt  }
0x5e: {  	_ =	shalt  }
0x5f: {  	_ =	shalt  }
0x60: {  	_ =	shalt  }
0x61: {  	_ =	shalt  }
0x62: {  	_ =	shalt  }
0x63: {  	_ =	shalt  }
0x64: {  	_ =	shalt  }
0x65: {  	_ =	shalt  }
0x66: {  	_ =	shalt  }
0x67: {  	_ =	shalt  }
0x68: {  	_ =	shalt  }
0x69: {  	_ =	shalt  }
0x6a: {  	_ =	shalt  }
0x6b: {  	_ =	shalt  }
0x6c: {  	_ =	shalt  }
0x6d: {  	_ =	shalt  }
0x6e: {  	_ =	shalt  }
0x6f: {  	_ =	shalt  }
0x70: {  	_ =	shalt  }
0x71: {  	_ =	shalt  }
0x72: {  	_ =	shalt  }
0x73: {  	_ =	shalt  }
0x74: {  	_ =	shalt  }
0x75: {  	_ =	shalt  }
0x76: {  	_ =	shalt  }
0x77: {  	_ =	shalt  }
0x78: {  	_ =	shalt  }
0x79: {  	_ =	shalt  }
0x7a: {  	_ =	shalt  }
0x7b: {  	_ =	shalt  }
0x7c: {  	_ =	shalt  }
0x7d: {  	_ =	shalt  }
0x7e: {  	_ =	shalt  }
0x7f: {  	_ =	shalt  }
0x80: {  	_ =	shalt  }
0x81: {  	_ =	shalt  }
0x82: {  	_ =	shalt  }
0x83: {  	_ =	shalt  }
0x84: {  	_ =	shalt  }
0x85: {  	_ =	shalt  }
0x86: {  	_ =	shalt  }
0x87: {  	_ =	shalt  }
.Lfunc_end0:
.L_simem_size_0:
called_computation_lowered:
.L_overlay_start_0:
0x88: {  	s2 =	sld [smem:$0x3FD9]  }
0x89: {  	s3 =	sld [smem:$0x3FFE];
	_ =	sdelay $0x1  }
0x8a: {  	s1 =	srdreg.scid  }
0x8b: {  	s0 =	sand.u32 $0x1, s1  }
0x8c: {  	s16 =	sshll.u32 s0, $0xA;
	s2 =	sadd.s32 s3, s2  }
0x8d: {  	s2 =	sadd.s32 s2, s16  }
0x8e: {  	[smem:$0x3FC5] =	sst s2  }
0x8f: {  	_ = 	snop  }
0x90: {  	(tm) =	ssettm $0x1  }
0x91: {  	s17 =	sld [smem:$0x3FFB];
	_ =	sdelay $0x3  }
0x92: {  	_ =	strace s17  }
0x93: {  	s2 =	sld [smem:$0x3FFC];
	_ =	sdelay $0x3  }
0x94: {  	_ =	strace s2  }
0x95: {  	s2 =	sld [smem:$0x3FFD];
	_ =	sdelay $0x3  }
0x96: {  	_ =	strace s2  }
0x97: {  	_ =	strace $0x8FFFFFFF  }
0x98: {  	s18 =	sld [smem:$0x3FDB];
	_ =	sdelay $0x1  }
0x99: {  	s19 =	simm.s32 $_scs_section_size  }
0x9a: {  	s4 =	simm.s32 $_size__tile_overlayer_lowered;
	s5 =	simm.s32 $_tile_overlayer_lowered  }
0x9b: {  	s22 =	simm.s32 $0x1BFF;
	s21 =	sshll.u32 s5, $0x1;
	s2 =	sadd.s32 s19, s18  }
0x9c: {  	s6 =	simm.s32 $0x0;
	s20 =	sshll.u32 s4, $0x1;
	s4 =	sadd.s32 s21, s2  }
0x9d: {  	[timem:s6], [sflag:s22] =	dma.local [hbm:s4], s20  }
0x9e: {  	_ =	swait.ge [sflag:s22], s20  }
0x9f: {  	s3 =	ssub.s32 $0x0, s20;
	[sflag:s22] =	ssyncset.done $0x0  }
0xa0: {  	[sflag:s22] =	ssyncadd.s32 s3;
	_ =	sdelay $0x1  }
0xa1: {  	s23 =	simm.s32 $0x1B8B  }
0xa2: {  	_ =	swait.ge [sflag:s23], $0x1  }
0xa3: {  	[sflag:s23] =	ssyncset.done $0x0  }
0xa4: {  	s25 =	simm.s32 $0x1B8E;
	s24 =	sld [smem:$0x3FFE];
	[sflag:s23] =	ssyncadd.s32 $0xFFFFFFFF  }
0xa5: {  	s26 =	simm.s32 $execute0_lowered;
	[smem:$0x3FD2] =	sst s25  }
0xa6: {  	s4 =	sshll.u32 s26, $0x1;
	_ =	strace $0x80000046;
	[dreg:$0x1] =	wrdreg $0xFFFFFFFF  }
0xa7: {  	s28 =	simm.s32 $_size_execute0_lowered;
	s2 =	sadd.s32 s2, s4;
	[dreg:$0x0] =	wrdreg $0x0  }
0xa8: {  	s4 =	sshll.u32 s28, $0x1;
	[dreg:$0x2] =	wrdreg s2  }
0xa9: {  	[dreg:$0x3] =	wrdreg s4  }
0xaa: {  	[dreg:$0x4] =	wrdreg $0xC0  }
0xab: {  	_ =	task [dreg:s6], $0x5FFFF  }
0xac: {  	[dreg:$0x1] =	wrdreg $0xFFFFFFFF  }
0xad: {  	[dreg:$0x0] =	wrdreg $0x60  }
0xae: {  	[dreg:$0x2] =	wrdreg s24  }
0xaf: {  	[dreg:$0x3] =	wrdreg $0x9  }
0xb0: {  	_ =	task.clear_ibuf [dreg:s6], $0x4FFFF;
	_ =	strace $0x90000046  }
0xb1: {  	s29 =	simm.s32 $0x9;
	_ =	strace $0x80000048  }
0xb2: {  	_ =	swait.ge [sflag:s29], $0x1  }
0xb3: {  	[sflag:s29] =	ssyncadd.s32 $0xFFFFFFFF  }
0xb4: {  	_ =	strace $0x90000048  }
0xb5: {  	_ =	sfence  }
0xb6: {  	s30 =	sld [smem:$0x0];
	_ =	sdelay $0x2  }
0xb7: {  	s31 =	sshll.u32 s1, $0xD;
	s1 =	sshrl.u32 s1, $0x2  }
0xb8: {  	s3 =	sand.u32 $0x4000, s31;
	s1 =	sadd.s32 s1, s30  }
0xb9: {  	s0 =	sor.u32 s3, s0;
	s1 =	sshll.u32 s1, $0x11  }
0xba: {  	s0 =	sor.u32 s1, s0  }
0xbb: {  	s0 =	sadd.s32 $0x8F2B, s0  }
0xbc: {  	[sflag:s0] =	ssyncadd.remote.s32 $0x1  }
0xbd: {  	_ =	sfence.sel $0xFFFF  }
0xbe: {  	[dreg:$0x0] =	wrdreg $0xFFFFFFFF;
	(pc) =	sbr.abs _section_cstart, $3  }
0xbf: {  	[dreg:$0x1] =	wrdreg $0xFFFFFFFF  }
0xc0: {  	_ =	task.clear_ibuf [dreg:s6], $0x2FFFF;
	_ =	strace $0x9FFFFFFF  }
0xc1: {  	(tm) =	ssettm $0x7FFFFFFF  }
tec
execute0_lowered:
.L_overlay_start_1:
0x0: {  	(tag) =	ssettag $0x1  }
0x1: {  	s3 =	rddreg [dreg:$0x0]  }
0x2: {  	s0 =	rddreg [dreg:$0x1]  }
0x3: {  	s2 =	simm.s32 $0x0;
	s4 =	srdreg.scid;
	s1 =	stileid.u32  }
0x4: {  	s8 =	simm.s32 $0x1;
	s9 =	simm.s32 $0x200;
	s10 =	simm.s32 $0x0  }
0x5: {  	[smem:$0x7FF] =	sst s2;
	s4 =	sand.u32 $0x1, s4;
	s5 =	sshll.u32 s1, $0x8  }
0x6: {  	s6 =	sshrl.u32 s1, $0x2;
	s7 =	sshll.u32 s4, $0x7;
	s5 =	sand.u32 $0x300, s5  }
0x7: {  	s28 =	sshll.u32 s6, $0xC;
	s6 =	sshll.u32 s6, $0xD;
	s5 =	sor.u32 s7, s5  }
0x8: {  	_ =	strace $0x80000047;
	s4 =	ssub.s32 $0x2, s4;
	s7 =	sor.u32 s28, s5  }
0x9: {  	s30 =	sshrl.u32 s4, $0x1;
	s5 =	sor.u32 s6, s5;
	s29 =	sshrl.u32 s7, $0x3  }
0xa: {  	s31 =	ssub.s32 s4, s30;
	s5 =	sshrl.u32 s5, $0x3;
	s6 =	sadd.s32 s29, s3  }
0xb: {  	v1 =	vlaneseq.u32;
	s7 =	simm.s32 $0x400;
	s5 =	sadd.s32 s5, s3;
	s3 =	sadd.s32 $0x800, s6  }
0xc: {  	v0 =	vimm.f32 $0.0e+00;
	v2 =	vimm.f32 $1.000000000e+00;
	v1 =	vmul.u32 $0x400, v1;
	s4 =	sadd.s32 $0x1000, s5;
	s5 =	smax.u32 s31, $0x1;
	s6 =	simm.s32 $0x80  }
.LBB2_1:
0xd: {  	[tilespmem:s2], [sflag:$0x1] =	stream.strided.gather [hbm4b:s3+s6], $0x200, s7, s6, $0x38;
	[tilespmem:$0x4200] =	vst v63  }
0xe: {  	_ =	swait.ge [sflag:s8], $0x200  }
0xf: {  	[sflag:s8] =	ssyncset.done $0x0  }
0x10: {  	s11 =	simm.s32 $0x40;
	s12 =	simm.s32 $0x0;
	[sflag:s8] =	ssyncadd.s32 $0xFFFFFE00  }
.LBB2_2:
0x11: {  	p0 =	sne.s32 s11, $0xFFC0;
	[tilespmem:s12+$0x200] =	vst v0;
	s12 =	smov.u32 s11;
	s11 =	sadd.s32 $0x40, s11  }
.Ltmp0:
0x12: {  	(pc) =	sbr.rel @p0 .LBB2_2-.Ltmp0, $2  }
0x13: {  	_ =	sdelay $0x2  }
0x14: {  	s12 =	sshra.s32 s12, $0x2  }
0x15: {  	[tilespmem:s12+$0x200] =	vst v0;
	s12 =	simm.s32 $0x0;
	s14 =	simm.s32 $0x0;
	s13 =	simm.s32 $0x40  }
.LBB2_4:
0x16: {  	p0 =	sne.s32 s13, $0x7C0;
	v3 =	vld [tilespmem:s14+$0x0];
	_ =	sdelay $0x4  }
0x17: {  	v3 =	vadd.s32 v1, v3  }
.Ltmp1:
0x18: {  	(pc) =	sbr.rel @p0 .LBB2_4-.Ltmp1, $3  }
0x19: {  	_ =	sdelay $0x1  }
0x1a: {  	s11 =	simm.s32 $0x200  }
0x1b: {  	s14 =	sshra.s32 s13, $0x2;
	s13 =	sadd.s32 $0x40, s13;
	[tilespmem:v3+s11+$0x0] =	vst.idx.add.f32.msk $0xffff, v2  }
0x1c: {  	v3 =	vld [tilespmem:s14+$0x0];
	_ =	sdelay $0x4  }
0x1d: {  	v3 =	vadd.s32 v1, v3;
	_ =	sdelay $0x4  }
0x1e: {  	s12 =	sand.u32 $0x3F0, s12;
	[tilespmem:v3+s11+$0x0] =	vst.idx.add.f32.msk $0xffff, v2  }
0x1f: {  	s13 =	simm.s32 $0x10;
	v3 =	vld [tilespmem:s12+$0x600]  }
.LBB2_6:
0x20: {  	p0 =	sne.s32 s13, $0x3F0;
	v4 =	vld [tilespmem:s11+$0x0];
	_ =	sdelay $0x1  }
0x21: {  	v5 =	vld [tilespmem:s12+$0xA00];
	_ =	sdelay $0x1  }
0x22: {  	v6 =	vld [tilespmem:s12+$0xE00]  }
0x23: {  	v3 =	vadd.f32 v3, v4  }
0x24: {  	v4 =	vld [tilespmem:s12+$0x1200]  }
0x25: {  	v3 =	vadd.f32 v5, v3  }
0x26: {  	v5 =	vld [tilespmem:s12+$0x1600]  }
0x27: {  	v3 =	vadd.f32 v6, v3  }
0x28: {  	v6 =	vld [tilespmem:s12+$0x1A00]  }
0x29: {  	v3 =	vadd.f32 v4, v3  }
0x2a: {  	v4 =	vld [tilespmem:s12+$0x1E00]  }
0x2b: {  	v3 =	vadd.f32 v5, v3  }
0x2c: {  	v5 =	vld [tilespmem:s12+$0x2200]  }
0x2d: {  	v3 =	vadd.f32 v6, v3  }
0x2e: {  	v6 =	vld [tilespmem:s12+$0x2600]  }
0x2f: {  	v3 =	vadd.f32 v4, v3  }
0x30: {  	v4 =	vld [tilespmem:s12+$0x2A00]  }
0x31: {  	v3 =	vadd.f32 v5, v3  }
0x32: {  	v5 =	vld [tilespmem:s12+$0x2E00]  }
0x33: {  	v3 =	vadd.f32 v6, v3  }
0x34: {  	v6 =	vld [tilespmem:s12+$0x3200]  }
0x35: {  	v3 =	vadd.f32 v4, v3  }
0x36: {  	v4 =	vld [tilespmem:s12+$0x3600]  }
0x37: {  	v3 =	vadd.f32 v5, v3  }
0x38: {  	v5 =	vld [tilespmem:s12+$0x3A00]  }
0x39: {  	v3 =	vadd.f32 v6, v3  }
0x3a: {  	v6 =	vld [tilespmem:s12+$0x3E00]  }
0x3b: {  	v3 =	vadd.f32 v4, v3;
	_ =	sdelay $0x1  }
0x3c: {  	v3 =	vadd.f32 v5, v3  }
.Ltmp2:
0x3d: {  	(pc) =	sbr.rel @p0 .LBB2_6-.Ltmp2, $3  }
0x3e: {  	v3 =	vadd.f32 v6, v3;
	_ =	sdelay $0x1  }
0x3f: {  	s12 =	sand.u32 $0x3F0, s13;
	[tilespmem:s11+$0x0] =	vst v3  }
0x40: {  	s13 =	sadd.s32 $0x10, s13;
	s11 =	sadd.s32 $0x10, s11;
	v3 =	vld [tilespmem:s12+$0x600]  }
0x41: {  	v4 =	vld [tilespmem:s11+$0x0];
	_ =	sdelay $0x1  }
0x42: {  	v5 =	vld [tilespmem:s12+$0xA00];
	_ =	sdelay $0x1  }
0x43: {  	v6 =	vld [tilespmem:s12+$0xE00]  }
0x44: {  	v3 =	vadd.f32 v3, v4  }
0x45: {  	v52 =	vld [tilespmem:s12+$0x1200]  }
0x46: {  	v3 =	vadd.f32 v5, v3  }
0x47: {  	v53 =	vld [tilespmem:s12+$0x1600]  }
0x48: {  	v3 =	vadd.f32 v6, v3  }
0x49: {  	v54 =	vld [tilespmem:s12+$0x1A00]  }
0x4a: {  	v3 =	vadd.f32 v52, v3  }
0x4b: {  	v55 =	vld [tilespmem:s12+$0x1E00]  }
0x4c: {  	v3 =	vadd.f32 v53, v3  }
0x4d: {  	v56 =	vld [tilespmem:s12+$0x2200]  }
0x4e: {  	v3 =	vadd.f32 v54, v3  }
0x4f: {  	v57 =	vld [tilespmem:s12+$0x2600]  }
0x50: {  	v3 =	vadd.f32 v55, v3  }
0x51: {  	v58 =	vld [tilespmem:s12+$0x2A00]  }
0x52: {  	v3 =	vadd.f32 v56, v3  }
0x53: {  	v59 =	vld [tilespmem:s12+$0x2E00]  }
0x54: {  	v3 =	vadd.f32 v57, v3  }
0x55: {  	v60 =	vld [tilespmem:s12+$0x3200]  }
0x56: {  	v3 =	vadd.f32 v58, v3  }
0x57: {  	v61 =	vld [tilespmem:s12+$0x3600]  }
0x58: {  	v3 =	vadd.f32 v59, v3  }
0x59: {  	v62 =	vld [tilespmem:s12+$0x3A00]  }
0x5a: {  	v3 =	vadd.f32 v60, v3  }
0x5b: {  	v63 =	vld [tilespmem:s12+$0x3E00]  }
0x5c: {  	v3 =	vadd.f32 v61, v3;
	_ =	sdelay $0x1  }
0x5d: {  	v3 =	vadd.f32 v62, v3;
	_ =	sdelay $0x1  }
0x5e: {  	s10 =	sadd.s32 $0x1, s10;
	v3 =	vadd.f32 v63, v3  }
0x5f: {  	p0 =	sne.s32 s10, s5  }
.Ltmp3:
0x60: {  	[tilespmem:s11+$0x0] =	vst v3;
	(pc) =	sbr.rel @p0 .LBB2_1-.Ltmp3, $4  }
0x61: {  	[hbm4b:s4+s6] =	stream.strided.scatter [tilespmem:s9], [sflag:$0x1], $0x400, s7, s6, $0x38;
	[tilespmem:$0x4200] =	vst v63  }
0x62: {  	_ =	swait.ge [sflag:s8], $0x400  }
0x63: {  	[sflag:s8] =	ssyncset.done $0x0  }
0x64: {  	[sflag:s8] =	ssyncadd.s32 $0xFFFFFC00  }
0x65: {  	_ =	sfence.sel $0x180000  }
0x66: {  	[bflag:$0x0] =	sbarrier.arrive $0xFFFF  }
0x67: {  	p0 =	sne.s32 s1, $0x0;
	_ =	strace $0x90000047  }
0x68: {  	s0 =	sadd.s32 @!p0 $0x100000, s0;
	[bflag:$0x2] =	sbarrier.arrive $0xFFFF  }
0x69: {  	[sflag:s0] =	ssyncadd.tile.s32 @!p0 $0x1;
	_ =	shalt  }
.Lfunc_end2:
_tile_overlayer_lowered:
.L_overlay_start_2:
0x6a: {  	(tag) =	ssettag $0x2  }
0x6b: {  	s0 =	rddreg [dreg:$0x0];
	s2 =	stileid.u32  }
0x6c: {  	s1 =	rddreg [dreg:$0x1];
	p0 =	sne.s32 s2, $0x0  }
0x6d: {  	s3 =	rddreg [dreg:$0x2];
	[bflag:$0x3] =	sbarrier.arrive $0xFFFF;
	s2 =	simm.s32 @!p0 $0x1C01  }
0x6e: {  	[timem:s3], [sflag:s2] =	dma.local @!p0 [hbm:s0], s1  }
0x6f: {  	s0 =	simm.s32 @!p0 $0x1  }
0x70: {  	_ =	swait.ge @!p0 [sflag:s0], s1  }
0x71: {  	s1 =	ssub.s32 @!p0 $0x0, s1;
	[sflag:s0] =	ssyncset.done @!p0 $0x0  }
0x72: {  	[sflag:s0] =	ssyncadd.s32 @!p0 s1  }
0x73: {  	[bflag:$0x3] =	sbarrier.arrive $0xFFFF  }
0x74: {  	_ =	shalt  }

</sc_bundles>
